<compile_context>
chip_gen: v7x
topology: tpu7x:2x2x1
jax: 0.10.2.dev20260603
libtpu: 0.0.44.dev20260713+nightly
codegen_flags: <defaults>
</compile_context>

<pallas_src>
import functools

import jax
import jax.numpy as jnp
from jax import lax
from jax.experimental import pallas as pl
from jax.experimental.pallas import tpu as pltpu, tpu_sc as plsc

_B = 16384
_L = 16
_NS = 16
_NP = 37


def _f32(v):
    return plsc.bitcast(v, jnp.float32)


def _sc_body(xall_hbm, out_hbm, params_v, tab0_v, tab1_v, xv, outv,
             sem0, sem1, nc):
    wid = lax.axis_index("s") * nc + lax.axis_index("c")
    rows = outv.shape[0]
    base = wid * rows

    cp0 = pltpu.async_copy(xall_hbm.at[pl.ds(base, rows)],
                           xv.at[pl.ds(0, rows)], sem0)
    cp1 = pltpu.async_copy(xall_hbm.at[pl.ds(_B + base, rows)],
                           xv.at[pl.ds(rows, rows)], sem1)
    pltpu.sync_copy(xall_hbm.at[pl.ds(2 * _B, _NP)], params_v)

    lanes = lax.broadcasted_iota(jnp.int32, (_L,), 0)
    v4 = jnp.minimum(lanes, 6) * 4

    def build(j, ts):
        t0, t1 = ts
        ej = _f32(plsc.load_gather(params_v, [v4 + j]))
        w0 = _f32(plsc.load_gather(params_v,
                                   [jnp.full((_L,), 28, jnp.int32) + j]))
        w1 = _f32(plsc.load_gather(params_v,
                                   [jnp.full((_L,), 32, jnp.int32) + j]))
        return (t0 + ej * w0, t1 + ej * w1)

    t0 = _f32(plsc.load_gather(params_v, [jnp.full((_L,), 36, jnp.int32)]))
    t0, t1 = lax.fori_loop(0, 4, build, (t0, jnp.zeros((_L,), jnp.float32)))
    tab0_v[...] = t0
    tab1_v[...] = t1

    cp0.wait()
    cp1.wait()

    half = rows // 2

    @plsc.parallel_loop(0, half, step=_L, unroll=4)
    def _first(r):
        i0 = xv[pl.ds(r, _L)]
        i1 = xv[pl.ds(rows + r, _L)]
        y = plsc.load_gather(tab0_v, [i0]) + plsc.load_gather(tab1_v, [i1])
        outv[pl.ds(r, _L)] = y

    cp_out = pltpu.async_copy(outv.at[pl.ds(0, half)],
                              out_hbm.at[pl.ds(base, half)], sem0)

    @plsc.parallel_loop(half, rows, step=_L, unroll=4)
    def _second(r):
        i0 = xv[pl.ds(r, _L)]
        i1 = xv[pl.ds(rows + r, _L)]
        y = plsc.load_gather(tab0_v, [i0]) + plsc.load_gather(tab1_v, [i1])
        outv[pl.ds(r, _L)] = y

    cp_out.wait()
    pltpu.sync_copy(outv.at[pl.ds(half, half)],
                    out_hbm.at[pl.ds(base + half, half)])


def kernel(x, emb, W, b):
    nc = 1
    rows = _B // (nc * _NS)

    x32 = x.astype(jnp.int32)
    params = jnp.concatenate(
        [emb.reshape(-1), W.reshape(-1), b]).astype(jnp.float32)
    xall = jnp.concatenate([
        x32[:, 0, 0], x32[:, 1, 0],
        lax.bitcast_convert_type(params, jnp.int32),
    ])

    mesh = plsc.VectorSubcoreMesh(core_axis_name="c", subcore_axis_name="s",
                                  num_cores=nc, num_subcores=_NS)
    run = pl.kernel(
        functools.partial(_sc_body, nc=nc),
        mesh=mesh,
        compiler_params=pltpu.CompilerParams(needs_layout_passes=False),
        out_type=jax.ShapeDtypeStruct((_B,), jnp.float32),
        scratch_types=[
            pltpu.VMEM((_NP,), jnp.int32),
            pltpu.VMEM((_L,), jnp.float32),
            pltpu.VMEM((_L,), jnp.float32),
            pltpu.VMEM((2 * rows,), jnp.int32),
            pltpu.VMEM((rows,), jnp.float32),
            pltpu.SemaphoreType.DMA,
            pltpu.SemaphoreType.DMA,
        ],
    )
    out = run(xall)
    return out.reshape(_B, 1)

# --- scband reference (transcript-rebuilt; emitter-appended) ---
"""Pipeline reference for scband-model-10909216931849 (READ-ONLY COPY).

The authoritative reference and input builder live on the scoring server;
editing this copy changes nothing except your own understanding.
"""

import jax, jax.numpy as jnp
import numpy as np

def setup_inputs(seed: int = 0) -> dict:
    key = jax.random.key(seed)
    k1, k2, k3, k4 = jax.random.split(key, 4)
    x = jax.random.randint(k1, (16384, 2, 1), 0, 7, dtype=jnp.int64)
    # Embedding(7, 4): weights ~ N(0,1) like torch default
    emb = jax.random.normal(k2, (7, 4), dtype=jnp.float32)
    # Linear(8, 1): kaiming-uniform-ish bounds like torch default
    bound = 1.0 / np.sqrt(8.0)
    W = jax.random.uniform(k3, (1, 8), minval=-bound, maxval=bound, dtype=jnp.float32)
    b = jax.random.uniform(k4, (1,), minval=-bound, maxval=bound, dtype=jnp.float32)
    return {"x": x, "emb": emb, "W": W, "b": b}

def reference(x, emb, W, b):
    # h = embedding(x): gather -> [B, 2, 1, 4]
    h = jnp.take(emb, x, axis=0)
    # h.view(B, -1) -> [B, 8]
    h = h.reshape(h.shape[0], -1)
    # fc: Linear(8, 1)
    out = h @ W.T + b
    return out

if __name__ == "__main__":
    import jax
    _d = setup_inputs()
    print(jax.jit(kernel)(*tuple(_d.values())))

</pallas_src>

<mosaic_0001>
#map = affine_map<(d0, d1) -> (0)>
module attributes {stable_mosaic.version = 14 : i64} {
  func.func @_sc_body(%arg0: i32, %arg1: i32, %arg2: memref<32805xi32, #tpu.memory_space<hbm>>, %arg3: memref<16384xf32, #tpu.memory_space<hbm>>, %arg4: memref<37xi32, #tpu.memory_space<vmem>>, %arg5: memref<16xf32, #tpu.memory_space<vmem>>, %arg6: memref<16xf32, #tpu.memory_space<vmem>>, %arg7: memref<2048xi32, #tpu.memory_space<vmem>>, %arg8: memref<1024xf32, #tpu.memory_space<vmem>>, %arg9: memref<!tpu.dma_semaphore, #tpu.memory_space<semaphore_mem>>, %arg10: memref<!tpu.dma_semaphore, #tpu.memory_space<semaphore_mem>>) attributes {dimension_semantics = [#tpu.dimension_semantics<core_parallel>, #tpu.dimension_semantics<subcore_parallel>], iteration_bounds = array<i64: 1, 16>, scalar_prefetch = 0 : i64, scratch_operands = 7 : i64, tpu.core_type = #tpu.core_type<sc_vector_subcore>, window_params = [{transform_indices = #map}, {transform_indices = #map}]} {
    %mul3A = arith.constant 1 : i32
    %mul3A_0 = arith.muli %arg1, %mul3A : i32
    %add3A = arith.addi %mul3A_0, %arg0 : i32
    %mul3A_1 = arith.constant 1024 : i32
    %mul3A_2 = arith.muli %add3A, %mul3A_1 : i32
    %dma_start3A = arith.constant 0 : i32
    %dma_start3A_3 = tpu.memref_slice %arg7[%dma_start3A] : memref<2048xi32, #tpu.memory_space<vmem>> -> memref<1024xi32, #tpu.memory_space<vmem>>
    %dma_start3A_4 = tpu.memref_slice %arg2[%mul3A_2] : memref<32805xi32, #tpu.memory_space<hbm>> -> memref<1024xi32, #tpu.memory_space<hbm>>
    %dma_start3A_5 = arith.constant 0 : i32
    %dma_start3A_6 = tpu.memref_slice %arg7[%dma_start3A_5] : memref<2048xi32, #tpu.memory_space<vmem>> -> memref<1024xi32, #tpu.memory_space<vmem>>
    %dma_start3A_7 = tpu.memref_slice %arg2[%mul3A_2] : memref<32805xi32, #tpu.memory_space<hbm>> -> memref<1024xi32, #tpu.memory_space<hbm>>
    tpu.enqueue_dma source(%dma_start3A_7 : memref<1024xi32, #tpu.memory_space<hbm>>) target(%dma_start3A_6 : memref<1024xi32, #tpu.memory_space<vmem>>) target_semaphore(%arg9 : memref<!tpu.dma_semaphore, #tpu.memory_space<semaphore_mem>>)
    %add3A_8 = arith.constant 16384 : i32
    %add3A_9 = arith.addi %add3A_8, %mul3A_2 : i32
    %dma_start3A_10 = arith.constant 1024 : i32
    %dma_start3A_11 = tpu.memref_slice %arg7[%dma_start3A_10] : memref<2048xi32, #tpu.memory_space<vmem>> -> memref<1024xi32, #tpu.memory_space<vmem>>
    %dma_start3A_12 = tpu.memref_slice %arg2[%add3A_9] : memref<32805xi32, #tpu.memory_space<hbm>> -> memref<1024xi32, #tpu.memory_space<hbm>>
    %dma_start3A_13 = arith.constant 1024 : i32
    %dma_start3A_14 = tpu.memref_slice %arg7[%dma_start3A_13] : memref<2048xi32, #tpu.memory_space<vmem>> -> memref<1024xi32, #tpu.memory_space<vmem>>
    %dma_start3A_15 = tpu.memref_slice %arg2[%add3A_9] : memref<32805xi32, #tpu.memory_space<hbm>> -> memref<1024xi32, #tpu.memory_space<hbm>>
    tpu.enqueue_dma source(%dma_start3A_15 : memref<1024xi32, #tpu.memory_space<hbm>>) target(%dma_start3A_14 : memref<1024xi32, #tpu.memory_space<vmem>>) target_semaphore(%arg10 : memref<!tpu.dma_semaphore, #tpu.memory_space<semaphore_mem>>)
    "tpu.region"() ({
      %run_scoped3A = tpu.sem_alloc : memref<!tpu.dma_semaphore, #tpu.memory_space<semaphore_mem>>
      %dma_start3A_62 = arith.constant 32768 : i32
      %dma_start3A_63 = tpu.memref_slice %arg2[%dma_start3A_62] : memref<32805xi32, #tpu.memory_space<hbm>> -> memref<37xi32, #tpu.memory_space<hbm>>
      %dma_start3A_64 = arith.constant 32768 : i32
      %dma_start3A_65 = tpu.memref_slice %arg2[%dma_start3A_64] : memref<32805xi32, #tpu.memory_space<hbm>> -> memref<37xi32, #tpu.memory_space<hbm>>
      tpu.enqueue_dma source(%dma_start3A_65 : memref<37xi32, #tpu.memory_space<hbm>>) target(%arg4 : memref<37xi32, #tpu.memory_space<vmem>>) target_semaphore(%run_scoped3A : memref<!tpu.dma_semaphore, #tpu.memory_space<semaphore_mem>>)
      %dma_wait3A_66 = arith.constant 32768 : i32
      %dma_wait3A_67 = tpu.memref_slice %arg2[%dma_wait3A_66] : memref<32805xi32, #tpu.memory_space<hbm>> -> memref<37xi32, #tpu.memory_space<hbm>>
      %dma_wait3A_68 = arith.constant 32768 : i32
      %dma_wait3A_69 = tpu.memref_slice %arg2[%dma_wait3A_68] : memref<32805xi32, #tpu.memory_space<hbm>> -> memref<37xi32, #tpu.memory_space<hbm>>
      tpu.wait_dma2 semaphore(%run_scoped3A : memref<!tpu.dma_semaphore, #tpu.memory_space<semaphore_mem>>) src(%dma_wait3A_69 : memref<37xi32, #tpu.memory_space<hbm>>) dst(%arg4 : memref<37xi32, #tpu.memory_space<vmem>>)
      tpu.yield
    }) : () -> ()
    %iota3A = tpu.iota {dimensions = array<i32: 0>} : vector<16xi32>
    %min3A = arith.constant 6 : i32
    %min3A_16 = vector.broadcast %min3A : i32 to vector<16xi32>
    %min3A_17 = arith.minsi %iota3A, %min3A_16 : vector<16xi32>
    %mul3A_18 = arith.constant 4 : i32
    %mul3A_19 = vector.broadcast %mul3A_18 : i32 to vector<16xi32>
    %mul3A_20 = arith.muli %min3A_17, %mul3A_19 : vector<16xi32>
    %broadcast_in_dim3A = arith.constant 36 : i32
    %broadcast_in_dim3A_21 = vector.broadcast %broadcast_in_dim3A : i32 to vector<16xi32>
    %gather3A = tpu.vector_load_idx %arg4[%broadcast_in_dim3A_21] : memref<37xi32, #tpu.memory_space<vmem>>[vector<16xi32>], vector<16xi32>,
    %bitcast3A = vector.bitcast %gather3A : vector<16xi32> to vector<16xf32>
    %broadcast_in_dim3A_22 = arith.constant 0.000000e+00 : f32
    %broadcast_in_dim3A_23 = vector.broadcast %broadcast_in_dim3A_22 : f32 to vector<16xf32>
    %scan3A = arith.constant 0 : i32
    %scan3A_24 = arith.constant 4 : i32
    %scan3A_25 = arith.addi %scan3A, %scan3A_24 : i32
    %scan3A_26 = arith.constant 1 : i32
    %scan3A_27:2 = scf.for %scan3A_62 = %scan3A to %scan3A_25 step %scan3A_26 iter_args(%scan3A_63 = %bitcast3A, %scan3A_64 = %broadcast_in_dim3A_23) -> (vector<16xf32>, vector<16xf32>)  : i32 {
      %add3A_65 = vector.broadcast %scan3A_62 : i32 to vector<16xi32>
      %add3A_66 = arith.addi %mul3A_20, %add3A_65 : vector<16xi32>
      %gather3A_67 = tpu.vector_load_idx %arg4[%add3A_66] : memref<37xi32, #tpu.memory_space<vmem>>[vector<16xi32>], vector<16xi32>,
      %bitcast3A_68 = vector.bitcast %gather3A_67 : vector<16xi32> to vector<16xf32>
      %broadcast_in_dim3A_69 = arith.constant 28 : i32
      %broadcast_in_dim3A_70 = vector.broadcast %broadcast_in_dim3A_69 : i32 to vector<16xi32>
      %add3A_71 = vector.broadcast %scan3A_62 : i32 to vector<16xi32>
      %add3A_72 = arith.addi %broadcast_in_dim3A_70, %add3A_71 : vector<16xi32>
      %gather3A_73 = tpu.vector_load_idx %arg4[%add3A_72] : memref<37xi32, #tpu.memory_space<vmem>>[vector<16xi32>], vector<16xi32>,
      %bitcast3A_74 = vector.bitcast %gather3A_73 : vector<16xi32> to vector<16xf32>
      %broadcast_in_dim3A_75 = arith.constant 32 : i32
      %broadcast_in_dim3A_76 = vector.broadcast %broadcast_in_dim3A_75 : i32 to vector<16xi32>
      %add3A_77 = vector.broadcast %scan3A_62 : i32 to vector<16xi32>
      %add3A_78 = arith.addi %broadcast_in_dim3A_76, %add3A_77 : vector<16xi32>
      %gather3A_79 = tpu.vector_load_idx %arg4[%add3A_78] : memref<37xi32, #tpu.memory_space<vmem>>[vector<16xi32>], vector<16xi32>,
      %bitcast3A_80 = vector.bitcast %gather3A_79 : vector<16xi32> to vector<16xf32>
      %mul3A_81 = arith.mulf %bitcast3A_68, %bitcast3A_74 : vector<16xf32>
      %add3A_82 = arith.addf %scan3A_63, %mul3A_81 : vector<16xf32>
      %mul3A_83 = arith.mulf %bitcast3A_68, %bitcast3A_80 : vector<16xf32>
      %add3A_84 = arith.addf %scan3A_64, %mul3A_83 : vector<16xf32>
      scf.yield %add3A_82, %add3A_84 : vector<16xf32>, vector<16xf32>
    }
    %scan3A_28 = arith.constant 4 : i32
    %swap3A = arith.constant 0 : index
    %swap3A_29 = tpu.vector_load %arg5[%swap3A] {strides = array<i32>} : memref<16xf32, #tpu.memory_space<vmem>>, vector<16xf32>,
    tpu.vector_store %arg5[%swap3A], %scan3A_27#0 {strides = array<i32>} : memref<16xf32, #tpu.memory_space<vmem>>, vector<16xf32>,
    %swap3A_30 = arith.constant 0 : index
    %swap3A_31 = tpu.vector_load %arg6[%swap3A_30] {strides = array<i32>} : memref<16xf32, #tpu.memory_space<vmem>>, vector<16xf32>,
    tpu.vector_store %arg6[%swap3A_30], %scan3A_27#1 {strides = array<i32>} : memref<16xf32, #tpu.memory_space<vmem>>, vector<16xf32>,
    %dma_wait3A = arith.constant 0 : i32
    %dma_wait3A_32 = tpu.memref_slice %arg7[%dma_wait3A] : memref<2048xi32, #tpu.memory_space<vmem>> -> memref<1024xi32, #tpu.memory_space<vmem>>
    %dma_wait3A_33 = tpu.memref_slice %arg2[%mul3A_2] : memref<32805xi32, #tpu.memory_space<hbm>> -> memref<1024xi32, #tpu.memory_space<hbm>>
    %dma_wait3A_34 = arith.constant 0 : i32
    %dma_wait3A_35 = tpu.memref_slice %arg7[%dma_wait3A_34] : memref<2048xi32, #tpu.memory_space<vmem>> -> memref<1024xi32, #tpu.memory_space<vmem>>
    %dma_wait3A_36 = tpu.memref_slice %arg2[%mul3A_2] : memref<32805xi32, #tpu.memory_space<hbm>> -> memref<1024xi32, #tpu.memory_space<hbm>>
    tpu.wait_dma2 semaphore(%arg9 : memref<!tpu.dma_semaphore, #tpu.memory_space<semaphore_mem>>) src(%dma_wait3A_36 : memref<1024xi32, #tpu.memory_space<hbm>>) dst(%dma_wait3A_35 : memref<1024xi32, #tpu.memory_space<vmem>>)
    %dma_wait3A_37 = arith.constant 1024 : i32
    %dma_wait3A_38 = tpu.memref_slice %arg7[%dma_wait3A_37] : memref<2048xi32, #tpu.memory_space<vmem>> -> memref<1024xi32, #tpu.memory_space<vmem>>
    %dma_wait3A_39 = tpu.memref_slice %arg2[%add3A_9] : memref<32805xi32, #tpu.memory_space<hbm>> -> memref<1024xi32, #tpu.memory_space<hbm>>
    %dma_wait3A_40 = arith.constant 1024 : i32
    %dma_wait3A_41 = tpu.memref_slice %arg7[%dma_wait3A_40] : memref<2048xi32, #tpu.memory_space<vmem>> -> memref<1024xi32, #tpu.memory_space<vmem>>
    %dma_wait3A_42 = tpu.memref_slice %arg2[%add3A_9] : memref<32805xi32, #tpu.memory_space<hbm>> -> memref<1024xi32, #tpu.memory_space<hbm>>
    tpu.wait_dma2 semaphore(%arg10 : memref<!tpu.dma_semaphore, #tpu.memory_space<semaphore_mem>>) src(%dma_wait3A_42 : memref<1024xi32, #tpu.memory_space<hbm>>) dst(%dma_wait3A_41 : memref<1024xi32, #tpu.memory_space<vmem>>)
    %parallel_loop3A = arith.constant 0 : i32
    %parallel_loop3A_43 = arith.constant 512 : i32
    %parallel_loop3A_44 = arith.constant 16 : i32
    scf.for %parallel_loop3A_62 = %parallel_loop3A to %parallel_loop3A_43 step %parallel_loop3A_44  : i32 {
      %parallel_loop3A_63 = arith.index_cast %parallel_loop3A_62 : i32 to index
      %parallel_loop3A_64 = tpu.vector_load %arg7[%parallel_loop3A_63] {strides = array<i32>} : memref<2048xi32, #tpu.memory_space<vmem>>, vector<16xi32>,
      %parallel_loop3A_65 = arith.constant 1024 : i32
      %parallel_loop3A_66 = arith.addi %parallel_loop3A_65, %parallel_loop3A_62 : i32
      %parallel_loop3A_67 = arith.index_cast %parallel_loop3A_66 : i32 to index
      %parallel_loop3A_68 = tpu.vector_load %arg7[%parallel_loop3A_67] {strides = array<i32>} : memref<2048xi32, #tpu.memory_space<vmem>>, vector<16xi32>,
      %parallel_loop3A_69 = tpu.vector_load_idx %arg5[%parallel_loop3A_64] : memref<16xf32, #tpu.memory_space<vmem>>[vector<16xi32>], vector<16xf32>,
      %parallel_loop3A_70 = tpu.vector_load_idx %arg6[%parallel_loop3A_68] : memref<16xf32, #tpu.memory_space<vmem>>[vector<16xi32>], vector<16xf32>,
      %parallel_loop3A_71 = arith.addf %parallel_loop3A_69, %parallel_loop3A_70 : vector<16xf32>
      %parallel_loop3A_72 = arith.index_cast %parallel_loop3A_62 : i32 to index
      %parallel_loop3A_73 = tpu.vector_load %arg8[%parallel_loop3A_72] {strides = array<i32>} : memref<1024xf32, #tpu.memory_space<vmem>>, vector<16xf32>,
      tpu.vector_store %arg8[%parallel_loop3A_72], %parallel_loop3A_71 {strides = array<i32>} : memref<1024xf32, #tpu.memory_space<vmem>>, vector<16xf32>,
    } {sc.loop_unroll_factor = 4 : i64, sc.parallel_access}
    %dma_start3A_45 = arith.constant 0 : i32
    %dma_start3A_46 = tpu.memref_slice %arg8[%dma_start3A_45] : memref<1024xf32, #tpu.memory_space<vmem>> -> memref<512xf32, #tpu.memory_space<vmem>>
    %dma_start3A_47 = tpu.memref_slice %arg3[%mul3A_2] : memref<16384xf32, #tpu.memory_space<hbm>> -> memref<512xf32, #tpu.memory_space<hbm>>
    %dma_start3A_48 = tpu.memref_slice %arg3[%mul3A_2] : memref<16384xf32, #tpu.memory_space<hbm>> -> memref<512xf32, #tpu.memory_space<hbm>>
    %dma_start3A_49 = arith.constant 0 : i32
    %dma_start3A_50 = tpu.memref_slice %arg8[%dma_start3A_49] : memref<1024xf32, #tpu.memory_space<vmem>> -> memref<512xf32, #tpu.memory_space<vmem>>
    tpu.enqueue_dma source(%dma_start3A_50 : memref<512xf32, #tpu.memory_space<vmem>>) target(%dma_start3A_48 : memref<512xf32, #tpu.memory_space<hbm>>) target_semaphore(%arg9 : memref<!tpu.dma_semaphore, #tpu.memory_space<semaphore_mem>>)
    %parallel_loop3A_51 = arith.constant 512 : i32
    %parallel_loop3A_52 = arith.constant 1024 : i32
    %parallel_loop3A_53 = arith.constant 16 : i32
    scf.for %parallel_loop3A_62 = %parallel_loop3A_51 to %parallel_loop3A_52 step %parallel_loop3A_53  : i32 {
      %parallel_loop3A_63 = arith.index_cast %parallel_loop3A_62 : i32 to index
      %parallel_loop3A_64 = tpu.vector_load %arg7[%parallel_loop3A_63] {strides = array<i32>} : memref<2048xi32, #tpu.memory_space<vmem>>, vector<16xi32>,
      %parallel_loop3A_65 = arith.constant 1024 : i32
      %parallel_loop3A_66 = arith.addi %parallel_loop3A_65, %parallel_loop3A_62 : i32
      %parallel_loop3A_67 = arith.index_cast %parallel_loop3A_66 : i32 to index
      %parallel_loop3A_68 = tpu.vector_load %arg7[%parallel_loop3A_67] {strides = array<i32>} : memref<2048xi32, #tpu.memory_space<vmem>>, vector<16xi32>,
      %parallel_loop3A_69 = tpu.vector_load_idx %arg5[%parallel_loop3A_64] : memref<16xf32, #tpu.memory_space<vmem>>[vector<16xi32>], vector<16xf32>,
      %parallel_loop3A_70 = tpu.vector_load_idx %arg6[%parallel_loop3A_68] : memref<16xf32, #tpu.memory_space<vmem>>[vector<16xi32>], vector<16xf32>,
      %parallel_loop3A_71 = arith.addf %parallel_loop3A_69, %parallel_loop3A_70 : vector<16xf32>
      %parallel_loop3A_72 = arith.index_cast %parallel_loop3A_62 : i32 to index
      %parallel_loop3A_73 = tpu.vector_load %arg8[%parallel_loop3A_72] {strides = array<i32>} : memref<1024xf32, #tpu.memory_space<vmem>>, vector<16xf32>,
      tpu.vector_store %arg8[%parallel_loop3A_72], %parallel_loop3A_71 {strides = array<i32>} : memref<1024xf32, #tpu.memory_space<vmem>>, vector<16xf32>,
    } {sc.loop_unroll_factor = 4 : i64, sc.parallel_access}
    %dma_wait3A_54 = arith.constant 0 : i32
    %dma_wait3A_55 = tpu.memref_slice %arg8[%dma_wait3A_54] : memref<1024xf32, #tpu.memory_space<vmem>> -> memref<512xf32, #tpu.memory_space<vmem>>
    %dma_wait3A_56 = tpu.memref_slice %arg3[%mul3A_2] : memref<16384xf32, #tpu.memory_space<hbm>> -> memref<512xf32, #tpu.memory_space<hbm>>
    %dma_wait3A_57 = tpu.memref_slice %arg3[%mul3A_2] : memref<16384xf32, #tpu.memory_space<hbm>> -> memref<512xf32, #tpu.memory_space<hbm>>
    %dma_wait3A_58 = arith.constant 0 : i32
    %dma_wait3A_59 = tpu.memref_slice %arg8[%dma_wait3A_58] : memref<1024xf32, #tpu.memory_space<vmem>> -> memref<512xf32, #tpu.memory_space<vmem>>
    tpu.wait_dma2 semaphore(%arg9 : memref<!tpu.dma_semaphore, #tpu.memory_space<semaphore_mem>>) src(%dma_wait3A_59 : memref<512xf32, #tpu.memory_space<vmem>>) dst(%dma_wait3A_57 : memref<512xf32, #tpu.memory_space<hbm>>)
    %add3A_60 = arith.constant 512 : i32
    %add3A_61 = arith.addi %mul3A_2, %add3A_60 : i32
    "tpu.region"() ({
      %run_scoped3A = tpu.sem_alloc : memref<!tpu.dma_semaphore, #tpu.memory_space<semaphore_mem>>
      %dma_start3A_62 = arith.constant 512 : i32
      %dma_start3A_63 = tpu.memref_slice %arg8[%dma_start3A_62] : memref<1024xf32, #tpu.memory_space<vmem>> -> memref<512xf32, #tpu.memory_space<vmem>>
      %dma_start3A_64 = tpu.memref_slice %arg3[%add3A_61] : memref<16384xf32, #tpu.memory_space<hbm>> -> memref<512xf32, #tpu.memory_space<hbm>>
      %dma_start3A_65 = tpu.memref_slice %arg3[%add3A_61] : memref<16384xf32, #tpu.memory_space<hbm>> -> memref<512xf32, #tpu.memory_space<hbm>>
      %dma_start3A_66 = arith.constant 512 : i32
      %dma_start3A_67 = tpu.memref_slice %arg8[%dma_start3A_66] : memref<1024xf32, #tpu.memory_space<vmem>> -> memref<512xf32, #tpu.memory_space<vmem>>
      tpu.enqueue_dma source(%dma_start3A_67 : memref<512xf32, #tpu.memory_space<vmem>>) target(%dma_start3A_65 : memref<512xf32, #tpu.memory_space<hbm>>) target_semaphore(%run_scoped3A : memref<!tpu.dma_semaphore, #tpu.memory_space<semaphore_mem>>)
      %dma_wait3A_68 = arith.constant 512 : i32
      %dma_wait3A_69 = tpu.memref_slice %arg8[%dma_wait3A_68] : memref<1024xf32, #tpu.memory_space<vmem>> -> memref<512xf32, #tpu.memory_space<vmem>>
      %dma_wait3A_70 = tpu.memref_slice %arg3[%add3A_61] : memref<16384xf32, #tpu.memory_space<hbm>> -> memref<512xf32, #tpu.memory_space<hbm>>
      %dma_wait3A_71 = tpu.memref_slice %arg3[%add3A_61] : memref<16384xf32, #tpu.memory_space<hbm>> -> memref<512xf32, #tpu.memory_space<hbm>>
      %dma_wait3A_72 = arith.constant 512 : i32
      %dma_wait3A_73 = tpu.memref_slice %arg8[%dma_wait3A_72] : memref<1024xf32, #tpu.memory_space<vmem>> -> memref<512xf32, #tpu.memory_space<vmem>>
      tpu.wait_dma2 semaphore(%run_scoped3A : memref<!tpu.dma_semaphore, #tpu.memory_space<semaphore_mem>>) src(%dma_wait3A_73 : memref<512xf32, #tpu.memory_space<vmem>>) dst(%dma_wait3A_71 : memref<512xf32, #tpu.memory_space<hbm>>)
      tpu.yield
    }) : () -> ()
    return
  }
}

</mosaic_0001>

<sc_bundles>
// kernel: kernel.3.cloned.1.call-start
scs
__scs_entry_jumppad:
0x0: {  	(pc) =	sbr.rel $0x88, $3  }
0x1: {  	(tag) =	ssettag $0x0;
	lr =	simm.s32 $0x1  }
0x2: {  	[smem:$0x3F9D] =	sst lr;
	_ =	strace $0xD0000000  }
0x3: {  	_ = 	snop  }
0x4: {  	_ = 	snop  }
0x5: {  	_ = 	snop  }
0x6: {  	_ = 	snop  }
0x7: {  	_ = 	snop  }
__scs_overlays_trampoline_lowered:
0x8: {  	[smem:$0x3FAC] =	sst s0  }
0x9: {  	[smem:$0x3FAD] =	sst s1  }
0xa: {  	[smem:$0x3FAE] =	sst s2  }
0xb: {  	[smem:$0x3FAF] =	sst s3  }
0xc: {  	[smem:$0x3FB0] =	sst s4  }
0xd: {  	[smem:$0x3FB1] =	sst s5  }
0xe: {  	[smem:$0x3FB2] =	sst s6  }
0xf: {  	[smem:$0x3FB3] =	sst s7  }
0x10: {  	[smem:$0x3FB4] =	sst s8  }
0x11: {  	[smem:$0x3FB5] =	sst s9;
	s0 =	simm.s32 @!p0 $0x0  }
0x12: {  	s1 =	sld [smem:$0x3F9B];
	s0 =	simm.s32 @p0 $0x1  }
0x13: {  	[smem:$0x3FB6] =	sst s0;
	s0 =	simm.s32 @!p1 $0x0  }
0x14: {  	s2 =	sld [smem:$0x3F9A];
	s0 =	simm.s32 @p1 $0x1  }
0x15: {  	[smem:$0x3FB7] =	sst s0;
	s0 =	simm.s32 @!p2 $0x0  }
0x16: {  	s3 =	sld [smem:$0x3FDB];
	s0 =	simm.s32 @p2 $0x1  }
0x17: {  	s4 =	simm.s32 $0x1BF5;
	[smem:$0x3FB9] =	sst s0  }
0x18: {  	s0 =	sld [smem:$0x3F9C];
	_ =	swait.ge [sflag:s4], $0x0  }
0x19: {  	s7 =	sld [smem:$0x3F9D]  }
0x1a: {  	s8 =	sadd.s32 $0xFFFFE003, lr  }
0x1b: {  	s9 =	sadd.s32 $0xFFFFFEF7, lr;
	s5 =	simm.s32 $0xFFFFFFFF;
	p2 =	slt.u32 s8, $0xFFFFF086  }
0x1c: {  	p1 =	slt.u32 s9, $0xF7A;
	s5 =	simm.s32 @!p2 $0x0  }
0x1d: {  	s5 =	simm.s32 @p1 $0x1;
	p0 =	seq.s32 s7, s2  }
0x1e: {  	s7 =	smul.u32 @!p0 $0xF7A, s2;
	p2 =	seq.s32 @!p0 s5, $0x0  }
0x1f: {  	s9 =	smul.u32 $0xF7A, s1;
	s8 =	simm.s32 @!p0 $0x1BF5;
	p2 =	por !p2, p0  }
0x20: {  	[sflag:s8] =	ssyncset.s32 @!p0 $0xFFFFF086;
	s6 =	sadd.s32 @!p0 s3, s7;
	s7 =	simm.s32 @!p0 $0x108  }
0x21: {  	s3 =	sadd.s32 s3, s9;
	s6 =	sadd.s32 @!p0 $0x88, s6;
	s7 =	simm.s32 @p2 $0x1082  }
0x22: {  	[simem:s7], [sflag:s8] =	dma.local @!p0 [hbm:s6], $0xF7A  }
0x23: {  	s9 =	sor.u32 $0xD0000000, s2;
	s6 =	simm.s32 $0x108;
	_ =	swait.ge @!p0 [sflag:s8], $0x0  }
0x24: {  	s3 =	sadd.s32 $0x88, s3;
	s6 =	simm.s32 @!p1 $0x1082;
	[sflag:s4] =	ssyncset.s32 $0xFFFFF086  }
0x25: {  	[simem:s6], [sflag:s4] =	dma.local [hbm:s3], $0xF7A  }
0x26: {  	[smem:$0x3F9D] =	sst s1;
	(tag) =	ssettag s2;
	_ =	strace s9  }
0x27: {  	s1 =	sld [smem:$0x3FAD]  }
0x28: {  	s2 =	sld [smem:$0x3FAE]  }
0x29: {  	s4 =	sld [smem:$0x3FB0]  }
0x2a: {  	p0 =	seq.s32 s5, $0x0;
	s5 =	sld [smem:$0x3FB1]  }
0x2b: {  	s6 =	sld [smem:$0x3FB2]  }
0x2c: {  	s7 =	sld [smem:$0x3FB3]  }
0x2d: {  	s3 =	simm.s32 $0x108;
	s8 =	sld [smem:$0x3FB4]  }
0x2e: {  	s3 =	simm.s32 @!p0 $0x1082;
	s9 =	sld [smem:$0x3FB5]  }
0x2f: {  	lr =	sadd.s32 s0, s3;
	s0 =	sld [smem:$0x3FAC]  }
0x30: {  	s3 =	sld [smem:$0x3FAF]  }
0x31: {  	[smem:$0x3FB8] =	sst s10  }
0x32: {  	s10 =	sld [smem:$0x3FB6];
	_ =	sdelay $0x3  }
0x33: {  	p0 =	seq.s32 s10, $0x1;
	s10 =	sld [smem:$0x3FB8];
	_ =	sdelay $0x3  }
0x34: {  	[smem:$0x3FB8] =	sst s10  }
0x35: {  	s10 =	sld [smem:$0x3FB7];
	_ =	sdelay $0x3  }
0x36: {  	p1 =	seq.s32 s10, $0x1;
	s10 =	sld [smem:$0x3FB8];
	_ =	sdelay $0x3  }
0x37: {  	[smem:$0x3FB8] =	sst s10  }
0x38: {  	s10 =	sld [smem:$0x3FB9]  }
0x39: {  	_ = 	snop;
	(pc) =	sbr.ind lr, $3  }
0x3a: {  	_ = 	snop  }
0x3b: {  	_ = 	snop  }
0x3c: {  	p2 =	seq.s32 s10, $0x1;
	s10 =	sld [smem:$0x3FB8]  }
0x3d: {  	_ =	shalt  }
0x3e: {  	_ =	shalt  }
0x3f: {  	_ =	shalt  }
0x40: {  	_ =	shalt  }
0x41: {  	_ =	shalt  }
0x42: {  	_ =	shalt  }
0x43: {  	_ =	shalt  }
0x44: {  	_ =	shalt  }
0x45: {  	_ =	shalt  }
0x46: {  	_ =	shalt  }
0x47: {  	_ =	shalt  }
0x48: {  	_ =	shalt  }
0x49: {  	_ =	shalt  }
0x4a: {  	_ =	shalt  }
0x4b: {  	_ =	shalt  }
0x4c: {  	_ =	shalt  }
0x4d: {  	_ =	shalt  }
0x4e: {  	_ =	shalt  }
0x4f: {  	_ =	shalt  }
0x50: {  	_ =	shalt  }
0x51: {  	_ =	shalt  }
0x52: {  	_ =	shalt  }
0x53: {  	_ =	shalt  }
0x54: {  	_ =	shalt  }
0x55: {  	_ =	shalt  }
0x56: {  	_ =	shalt  }
0x57: {  	_ =	shalt  }
0x58: {  	_ =	shalt  }
0x59: {  	_ =	shalt  }
0x5a: {  	_ =	shalt  }
0x5b: {  	_ =	shalt  }
0x5c: {  	_ =	shalt  }
0x5d: {  	_ =	shalt  }
0x5e: {  	_ =	shalt  }
0x5f: {  	_ =	shalt  }
0x60: {  	_ =	shalt  }
0x61: {  	_ =	shalt  }
0x62: {  	_ =	shalt  }
0x63: {  	_ =	shalt  }
0x64: {  	_ =	shalt  }
0x65: {  	_ =	shalt  }
0x66: {  	_ =	shalt  }
0x67: {  	_ =	shalt  }
0x68: {  	_ =	shalt  }
0x69: {  	_ =	shalt  }
0x6a: {  	_ =	shalt  }
0x6b: {  	_ =	shalt  }
0x6c: {  	_ =	shalt  }
0x6d: {  	_ =	shalt  }
0x6e: {  	_ =	shalt  }
0x6f: {  	_ =	shalt  }
0x70: {  	_ =	shalt  }
0x71: {  	_ =	shalt  }
0x72: {  	_ =	shalt  }
0x73: {  	_ =	shalt  }
0x74: {  	_ =	shalt  }
0x75: {  	_ =	shalt  }
0x76: {  	_ =	shalt  }
0x77: {  	_ =	shalt  }
0x78: {  	_ =	shalt  }
0x79: {  	_ =	shalt  }
0x7a: {  	_ =	shalt  }
0x7b: {  	_ =	shalt  }
0x7c: {  	_ =	shalt  }
0x7d: {  	_ =	shalt  }
0x7e: {  	_ =	shalt  }
0x7f: {  	_ =	shalt  }
0x80: {  	_ =	shalt  }
0x81: {  	_ =	shalt  }
0x82: {  	_ =	shalt  }
0x83: {  	_ =	shalt  }
0x84: {  	_ =	shalt  }
0x85: {  	_ =	shalt  }
0x86: {  	_ =	shalt  }
0x87: {  	_ =	shalt  }
.Lfunc_end0:
.L_simem_size_0:
called_computation_lowered:
.L_overlay_start_0:
0x88: {  	s0 =	sld [smem:$0x3FD9]  }
0x89: {  	s1 =	sld [smem:$0x3FFE];
	_ =	sdelay $0x3  }
0x8a: {  	s0 =	sadd.s32 s1, s0  }
0x8b: {  	[smem:$0x3FC4] =	sst s0  }
0x8c: {  	_ = 	snop  }
0x8d: {  	s0 =	sld [smem:$0x3FD0];
	(tm) =	ssettm $0x1  }
0x8e: {  	s16 =	sld [smem:$0x3FFB];
	_ =	sdelay $0x3  }
0x8f: {  	_ =	strace s16  }
0x90: {  	s1 =	sld [smem:$0x3FFC];
	_ =	sdelay $0x3  }
0x91: {  	_ =	strace s1  }
0x92: {  	s1 =	sld [smem:$0x3FFD];
	_ =	sdelay $0x3  }
0x93: {  	_ =	strace s1  }
0x94: {  	_ =	strace $0x8FFFFFFF  }
0x95: {  	s17 =	sld [smem:$0x3FDB];
	_ =	sdelay $0x1  }
0x96: {  	s2 =	simm.s32 $_scs_section_size  }
0x97: {  	s3 =	simm.s32 $_size__tile_overlayer_lowered;
	s4 =	simm.s32 $_tile_overlayer_lowered  }
0x98: {  	s20 =	simm.s32 $0x1BFF;
	s19 =	sshll.u32 s4, $0x1;
	s1 =	sadd.s32 s2, s17  }
0x99: {  	s5 =	simm.s32 $0x0;
	s18 =	sshll.u32 s3, $0x1;
	s3 =	sadd.s32 s19, s1  }
0x9a: {  	[timem:s5], [sflag:s20] =	dma.local [hbm:s3], s18  }
0x9b: {  	_ =	swait.ge [sflag:s20], s18  }
0x9c: {  	s2 =	ssub.s32 $0x0, s18;
	[sflag:s20] =	ssyncset.done $0x0  }
0x9d: {  	[sflag:s20] =	ssyncadd.s32 s2;
	_ =	sdelay $0x1  }
0x9e: {  	s21 =	simm.s32 $0x1B8B  }
0x9f: {  	_ =	swait.ge [sflag:s21], $0x1  }
0xa0: {  	[sflag:s21] =	ssyncset.done $0x0  }
0xa1: {  	s23 =	simm.s32 $0x1B8E;
	s22 =	sld [smem:$0x3FFE];
	[sflag:s21] =	ssyncadd.s32 $0xFFFFFFFF  }
0xa2: {  	s24 =	simm.s32 $execute0_lowered;
	[smem:$0x3FD2] =	sst s23  }
0xa3: {  	s3 =	sshll.u32 s24, $0x1;
	_ =	strace $0x80000046;
	[dreg:$0x1] =	wrdreg $0xFFFFFFFF  }
0xa4: {  	s25 =	simm.s32 $_size_execute0_lowered;
	s1 =	sadd.s32 s1, s3;
	[dreg:$0x0] =	wrdreg $0x0  }
0xa5: {  	s3 =	sshll.u32 s25, $0x1;
	[dreg:$0x2] =	wrdreg s1  }
0xa6: {  	[dreg:$0x3] =	wrdreg s3  }
0xa7: {  	[dreg:$0x4] =	wrdreg $0xC0  }
0xa8: {  	_ =	task [dreg:s5], $0x5FFFF  }
0xa9: {  	[dreg:$0x1] =	wrdreg $0xFFFFFFFF  }
0xaa: {  	[dreg:$0x0] =	wrdreg $0x60  }
0xab: {  	[dreg:$0x2] =	wrdreg s22  }
0xac: {  	[dreg:$0x3] =	wrdreg s0  }
0xad: {  	[dreg:$0x4] =	wrdreg $0x9  }
0xae: {  	_ =	task.clear_ibuf [dreg:s5], $0x5FFFF;
	_ =	strace $0x90000046  }
0xaf: {  	s26 =	simm.s32 $0x9;
	_ =	strace $0x80000048  }
0xb0: {  	_ =	swait.ge [sflag:s26], $0x1  }
0xb1: {  	[sflag:s26] =	ssyncadd.s32 $0xFFFFFFFF  }
0xb2: {  	_ =	strace $0x90000048  }
0xb3: {  	_ =	sfence  }
0xb4: {  	s28 =	sld [smem:$0x0];
	_ =	sdelay $0x1  }
0xb5: {  	s29 =	srdreg.scid  }
0xb6: {  	s30 =	sshll.u32 s29, $0xD;
	s31 =	sshrl.u32 s29, $0x2  }
0xb7: {  	s2 =	sand.u32 $0x4000, s30;
	s1 =	sand.u32 $0x1, s29;
	s0 =	sadd.s32 s31, s28  }
0xb8: {  	s1 =	sor.u32 s2, s1;
	s0 =	sshll.u32 s0, $0x11  }
0xb9: {  	s0 =	sor.u32 s0, s1  }
0xba: {  	s0 =	sadd.s32 $0x8F2B, s0  }
0xbb: {  	[sflag:s0] =	ssyncadd.remote.s32 $0x1  }
0xbc: {  	_ =	sfence.sel $0xFFFF  }
0xbd: {  	[dreg:$0x0] =	wrdreg $0xFFFFFFFF;
	(pc) =	sbr.abs _section_cstart, $3  }
0xbe: {  	[dreg:$0x1] =	wrdreg $0xFFFFFFFF  }
0xbf: {  	_ =	task.clear_ibuf [dreg:s5], $0x2FFFF;
	_ =	strace $0x9FFFFFFF  }
0xc0: {  	(tm) =	ssettm $0x7FFFFFFF  }
0xc1: {  	_ =	shalt  }
tec
execute0_lowered:
.L_overlay_start_1:
0x0: {  	(tag) =	ssettag $0x1  }
0x1: {  	s6 =	rddreg [dreg:$0x0]  }
0x2: {  	s2 =	rddreg [dreg:$0x1];
	s1 =	stileid.u32  }
0x3: {  	s0 =	rddreg [dreg:$0x2];
	s5 =	simm.s32 $0x0;
	s3 =	sshll.u32 s1, $0x7  }
0x4: {  	[smem:$0x7FF] =	sst s5;
	s7 =	sadd.s32 s3, s6  }
0x5: {  	s4 =	simm.s32 $0x180;
	_ =	strace $0x80000047;
	s8 =	sadd.s32 $0xA00, s7  }
0x6: {  	v0 =	vimm.s32 $0xC080400;
	[tilespmem:s4], [sflag:$0x1] =	stream.linear.gather [hbm4b:s8+s5], $0x400, $0x38;
	[tilespmem:$0xD80] =	vst v63  }
0x7: {  	s24 =	simm.s32 $0x580;
	v1 =	vimm.s32 $0x18181410;
	v0 =	vunpack.c.0.s8.s32 v0;
	s7 =	sadd.s32 $0x1200, s7  }
0x8: {  	v2 =	vimm.s32 $0x24;
	vm0 =	vcmask $0xF00;
	v1 =	vunpack.c.0.s8.s32 v1;
	[tilespmem:s24], [sflag:$0x2] =	stream.linear.gather [hbm4b:s7+s5], $0x400, $0x38;
	[tilespmem:$0xD80] =	vst v63  }
0x9: {  	vm1 =	vcmask $0x1F10;
	v3 =	vimm.s32 $0xD090501;
	s25 =	simm.s32 $0x3;
	s6 =	sadd.s32 $0x1A00, s6;
	v0 =	vnsel vm0, $0x18, v0  }
0xa: {  	v0 =	vsel vm1, v1, v0;
	v1 =	vunpack.c.0.s8.s32 v3;
	v3 =	vimm.s32 $0x19191511;
	[tilespmem:s5], [sflag:$0x3] =	stream.linear.gather [hbm4b:s6+s5], $0x25, $0x38;
	[tilespmem:$0xD80] =	vst v63  }
0xb: {  	v4 =	vimm.s32 $0x1C;
	v3 =	vunpack.c.0.s8.s32 v3;
	_ =	swait.ge [sflag:s25], $0x25  }
0xc: {  	v5 =	vimm.s32 $0x20;
	v1 =	vnsel vm0, $0x19, v1;
	[sflag:s25] =	ssyncset.done $0x0  }
0xd: {  	v6 =	vimm.s32 $0xE0A0602;
	v1 =	vsel vm1, v3, v1;
	[sflag:s25] =	ssyncadd.s32 $0xFFFFFFDB  }
0xe: {  	v7 =	vimm.s32 $0x1D;
	v3 =	vunpack.c.0.s8.s32 v6;
	v6 =	vimm.s32 $0x1A1A1612;
	v2 =	vld.idx.msk [tilespmem:v2+s5+$0x0], $0xffff  }
0xf: {  	v8 =	vimm.s32 $0x21;
	v9 =	vimm.s32 $0xF0B0703;
	v6 =	vunpack.c.0.s8.s32 v6;
	v0 =	vld.idx.msk [tilespmem:v0+s5+$0x0], $0xffff  }
0x10: {  	v57 =	vimm.s32 $0x1B1B1713;
	v10 =	vimm.s32 $0x1E;
	v3 =	vnsel vm0, $0x1A, v3;
	v4 =	vld.idx.msk [tilespmem:v4+s5+$0x0], $0xffff  }
0x11: {  	v11 =	vimm.s32 $0x22;
	v3 =	vsel vm1, v6, v3;
	v6 =	vunpack.c.0.s8.s32 v9;
	v5 =	vld.idx.msk [tilespmem:v5+s5+$0x0], $0xffff  }
0x12: {  	v9 =	vunpack.c.0.s8.s32 v57;
	v1 =	vld.idx.msk [tilespmem:v1+s5+$0x0], $0xffff  }
0x13: {  	v58 =	vimm.s32 $0x1F;
	v6 =	vnsel vm0, $0x1B, v6;
	v7 =	vld.idx.msk [tilespmem:v7+s5+$0x0], $0xffff  }
0x14: {  	v8 =	vld.idx.msk [tilespmem:v8+s5+$0x0], $0xffff;
	v6 =	vsel vm1, v9, v6  }
0x15: {  	v12 =	vimm.s32 $0x23;
	v10 =	vld.idx.msk [tilespmem:v10+s5+$0x0], $0xffff  }
0x16: {  	v11 =	vld.idx.msk [tilespmem:v11+s5+$0x0], $0xffff  }
0x17: {  	v3 =	vld.idx.msk [tilespmem:v3+s5+$0x0], $0xffff  }
0x18: {  	v4 =	vmul.f32 v4, v0;
	v0 =	vmul.f32 v5, v0;
	v5 =	vld.idx.msk [tilespmem:v58+s5+$0x0], $0xffff  }
0x19: {  	v6 =	vld.idx.msk [tilespmem:v6+s5+$0x0], $0xffff  }
0x1a: {  	v2 =	vadd.f32 v2, v4;
	v4 =	vmul.f32 v7, v1;
	v7 =	vld.idx.msk [tilespmem:v12+s5+$0x0], $0xffff  }
0x1b: {  	v0 =	vadd.f32 $0.0e+00, v0;
	v1 =	vmul.f32 v8, v1  }
0x1c: {  	v2 =	vadd.f32 v4, v2;
	v4 =	vmul.f32 v10, v3  }
0x1d: {  	v0 =	vadd.f32 v1, v0;
	v1 =	vmul.f32 v11, v3  }
0x1e: {  	v2 =	vadd.f32 v4, v2;
	v3 =	vmul.f32 v5, v6  }
0x1f: {  	v0 =	vadd.f32 v1, v0;
	v1 =	vmul.f32 v7, v6  }
0x20: {  	v2 =	vadd.f32 v3, v2  }
0x21: {  	v0 =	vadd.f32 v1, v0  }
0x22: {  	[tilespmem:$0x80] =	vst v2  }
0x23: {  	s26 =	simm.s32 $0x1;
	[tilespmem:$0x100] =	vst v0  }
0x24: {  	_ =	swait.ge [sflag:s26], $0x400  }
0x25: {  	[sflag:s26] =	ssyncset.done $0x0  }
0x26: {  	s28 =	simm.s32 $0x2;
	[sflag:s26] =	ssyncadd.s32 $0xFFFFFC00  }
0x27: {  	_ =	swait.ge [sflag:s28], $0x400  }
0x28: {  	s29 =	simm.s32 $0x0;
	[sflag:s28] =	ssyncset.done $0x0  }
0x29: {  	s30 =	sand.u32 $0x1C0, s29;
	[sflag:s28] =	ssyncadd.s32 $0xFFFFFC00  }
0x2a: {  	v0 =	vld [tilespmem:s30+$0x580]  }
0x2b: {  	v1 =	vld [tilespmem:s4+$0x0]  }
0x2c: {  	v2 =	vld [tilespmem:s4+$0x10]  }
0x2d: {  	v3 =	vld [tilespmem:s4+$0x410]  }
0x2e: {  	v4 =	vld [tilespmem:s4+$0x20]  }
0x2f: {  	v5 =	vld [tilespmem:s4+$0x420]  }
0x30: {  	v6 =	vld [tilespmem:s4+$0x30]  }
0x31: {  	s7 =	simm.s32 $0x1C0;
	v7 =	vld [tilespmem:s4+$0x430]  }
0x32: {  	v62 =	vld [tilespmem:s7+$0x10]  }
0x33: {  	v13 =	vld [tilespmem:s7+$0x410]  }
0x34: {  	v14 =	vld [tilespmem:s7+$0x20]  }
0x35: {  	s5 =	simm.s32 $0x100;
	v15 =	vld [tilespmem:s7+$0x420]  }
0x36: {  	s4 =	simm.s32 $0x80;
	v8 =	vld.idx.msk [tilespmem:v0+s5+$0x0], $0xffff  }
0x37: {  	v59 =	vld.idx.msk [tilespmem:v1+s4+$0x0], $0xffff  }
0x38: {  	v2 =	vld.idx.msk [tilespmem:v2+s4+$0x0], $0xffff  }
0x39: {  	s6 =	simm.s32 $0x40;
	v60 =	vld.idx.msk [tilespmem:v3+s5+$0x0], $0xffff  }
0x3a: {  	s31 =	sand.u32 $0x1C0, s6;
	v61 =	vld.idx.msk [tilespmem:v7+s5+$0x0], $0xffff  }
0x3b: {  	v3 =	vld [tilespmem:s31+$0x580]  }
0x3c: {  	v7 =	vld [tilespmem:s7+$0x0]  }
0x3d: {  	v4 =	vld.idx.msk [tilespmem:v4+s4+$0x0], $0xffff  }
0x3e: {  	v5 =	vld.idx.msk [tilespmem:v5+s5+$0x0], $0xffff  }
0x3f: {  	v6 =	vld.idx.msk [tilespmem:v6+s4+$0x0], $0xffff  }
0x40: {  	v1 =	vld [tilespmem:s7+$0x30]  }
0x41: {  	v0 =	vld [tilespmem:s7+$0x430]  }
0x42: {  	v8 =	vadd.f32 v8, v59;
	v63 =	vadd.f32 v60, v2;
	v2 =	vld.idx.msk [tilespmem:v62+s4+$0x0], $0xffff  }
0x43: {  	s8 =	simm.s32 $0x9A0;
	v3 =	vld.idx.msk [tilespmem:v3+s5+$0x0], $0xffff  }
0x44: {  	v4 =	vadd.f32 v5, v4;
	[tilespmem:s8+$0xFFFFFFE0] =	vst v8;
	v7 =	vld.idx.msk [tilespmem:v7+s4+$0x0], $0xffff  }
0x45: {  	v6 =	vadd.f32 v61, v6;
	v5 =	vld.idx.msk [tilespmem:v13+s5+$0x0], $0xffff;
	[tilespmem:s8+$0xFFFFFFF0] =	vst v63  }
0x46: {  	[tilespmem:s8+$0x0] =	vst v4;
	v4 =	vld.idx.msk [tilespmem:v14+s4+$0x0], $0xffff  }
0x47: {  	[tilespmem:s8+$0x10] =	vst v6;
	v6 =	vld.idx.msk [tilespmem:v15+s5+$0x0], $0xffff  }
.LBB2_1:
0x48: {  	s6 =	sadd.s32 $0x40, s6;
	v1 =	vld.idx.msk [tilespmem:v1+s4+$0x0], $0xffff  }
0x49: {  	v3 =	vadd.f32 v3, v7;
	s9 =	sand.u32 $0x1C0, s6;
	p0 =	slt.u32 s6, $0x1C0;
	v0 =	vld.idx.msk [tilespmem:v0+s5+$0x0], $0xffff  }
0x4a: {  	s7 =	sadd.s32 $0x40, s7;
	s8 =	sadd.s32 $0x40, s8;
	v7 =	vld [tilespmem:s9+$0x580]  }
0x4b: {  	v2 =	vadd.f32 v5, v2;
	v8 =	vld [tilespmem:s7+$0x0];
	[tilespmem:s8+$0xFFFFFFE0] =	vst v3  }
0x4c: {  	v5 =	vld [tilespmem:s7+$0x10]  }
0x4d: {  	v9 =	vld [tilespmem:s7+$0x410];
	[tilespmem:s8+$0xFFFFFFF0] =	vst v2;
	v2 =	vadd.f32 v6, v4  }
0x4e: {  	v4 =	vld [tilespmem:s7+$0x20]  }
0x4f: {  	v6 =	vld [tilespmem:s7+$0x420];
	[tilespmem:s8+$0x0] =	vst v2;
	v2 =	vadd.f32 v0, v1  }
0x50: {  	v1 =	vld [tilespmem:s7+$0x30]  }
0x51: {  	v0 =	vld [tilespmem:s7+$0x430];
	[tilespmem:s8+$0x10] =	vst v2  }
0x52: {  	v3 =	vld.idx.msk [tilespmem:v7+s5+$0x0], $0xffff  }
.Ltmp0:
0x53: {  	v7 =	vld.idx.msk [tilespmem:v8+s4+$0x0], $0xffff;
	(pc) =	sbr.rel @p0 .LBB2_1-.Ltmp0, $4  }
0x54: {  	v2 =	vld.idx.msk [tilespmem:v5+s4+$0x0], $0xffff  }
0x55: {  	v5 =	vld.idx.msk [tilespmem:v9+s5+$0x0], $0xffff  }
0x56: {  	v4 =	vld.idx.msk [tilespmem:v4+s4+$0x0], $0xffff  }
0x57: {  	v6 =	vld.idx.msk [tilespmem:v6+s5+$0x0], $0xffff  }
0x58: {  	_ =	sdelay $0x3  }
0x59: {  	v1 =	vld.idx.msk [tilespmem:v1+s4+$0x0], $0xffff  }
0x5a: {  	v0 =	vld.idx.msk [tilespmem:v0+s5+$0x0], $0xffff;
	_ =	sdelay $0x1  }
0x5b: {  	v3 =	vadd.f32 v3, v7  }
0x5c: {  	s26 =	sadd.s32 $0x40, s8;
	v2 =	vadd.f32 v5, v2  }
0x5d: {  	[tilespmem:s26+$0xFFFFFFE0] =	vst v3;
	v3 =	vadd.f32 v6, v4  }
0x5e: {  	[tilespmem:s26+$0xFFFFFFF0] =	vst v2;
	v0 =	vadd.f32 v0, v1  }
0x5f: {  	s28 =	sadd.s32 s2, s3;
	s30 =	simm.s32 $0x200;
	[tilespmem:s26+$0x0] =	vst v3  }
0x60: {  	s29 =	simm.s32 $0x0;
	s6 =	simm.s32 $0x980;
	s4 =	sand.u32 $0x3C0, s30;
	[tilespmem:s26+$0x10] =	vst v0  }
0x61: {  	[hbm4b:s28+s29] =	stream.linear.scatter [tilespmem:s6], [sflag:$0x1], $0x200, $0x38;
	[tilespmem:$0xD80] =	vst v63  }
0x62: {  	s31 =	simm.s32 $0x7B0;
	v0 =	vld [tilespmem:s4+$0x580]  }
0x63: {  	v1 =	vld [tilespmem:s31+$0xFFFFFBD0]  }
0x64: {  	v2 =	vld [tilespmem:s31+$0xFFFFFBE0]  }
0x65: {  	v3 =	vld [tilespmem:s31+$0xFFFFFFE0]  }
0x66: {  	v4 =	vld [tilespmem:s31+$0xFFFFFBF0]  }
0x67: {  	v5 =	vld [tilespmem:s31+$0xFFFFFFF0]  }
0x68: {  	v6 =	vld [tilespmem:s31+$0xFFFFFC00]  }
0x69: {  	s4 =	simm.s32 $0x100;
	v7 =	vld [tilespmem:s31+$0x0]  }
0x6a: {  	s5 =	simm.s32 $0x80;
	v8 =	vld.idx.msk [tilespmem:v0+s4+$0x0], $0xffff  }
0x6b: {  	v9 =	vld.idx.msk [tilespmem:v1+s5+$0x0], $0xffff  }
0x6c: {  	v2 =	vld.idx.msk [tilespmem:v2+s5+$0x0], $0xffff  }
0x6d: {  	v10 =	vld.idx.msk [tilespmem:v3+s4+$0x0], $0xffff  }
0x6e: {  	v4 =	vld.idx.msk [tilespmem:v4+s5+$0x0], $0xffff  }
0x6f: {  	v5 =	vld.idx.msk [tilespmem:v5+s4+$0x0], $0xffff  }
0x70: {  	s6 =	simm.s32 $0x240;
	v6 =	vld.idx.msk [tilespmem:v6+s5+$0x0], $0xffff  }
0x71: {  	s7 =	sand.u32 $0x3C0, s6;
	v11 =	vld.idx.msk [tilespmem:v7+s4+$0x0], $0xffff  }
0x72: {  	v3 =	vld [tilespmem:s7+$0x580];
	s7 =	simm.s32 $0x7F0  }
0x73: {  	v7 =	vld [tilespmem:s7+$0xFFFFFBD0]  }
0x74: {  	v12 =	vld [tilespmem:s7+$0xFFFFFBE0]  }
0x75: {  	v13 =	vld [tilespmem:s7+$0xFFFFFFE0]  }
0x76: {  	v14 =	vld [tilespmem:s7+$0xFFFFFBF0]  }
0x77: {  	v15 =	vld [tilespmem:s7+$0xFFFFFFF0]  }
0x78: {  	v1 =	vld [tilespmem:s7+$0xFFFFFC00]  }
0x79: {  	v0 =	vld [tilespmem:s7+$0x0]  }
0x7a: {  	v8 =	vadd.f32 v8, v9;
	v3 =	vld.idx.msk [tilespmem:v3+s4+$0x0], $0xffff  }
0x7b: {  	s8 =	simm.s32 $0xBB0;
	v63 =	vadd.f32 v10, v2;
	v7 =	vld.idx.msk [tilespmem:v7+s5+$0x0], $0xffff  }
0x7c: {  	v4 =	vadd.f32 v5, v4;
	[tilespmem:s8+$0xFFFFFFD0] =	vst v8;
	v2 =	vld.idx.msk [tilespmem:v12+s5+$0x0], $0xffff  }
0x7d: {  	v6 =	vadd.f32 v11, v6;
	[tilespmem:s8+$0xFFFFFFE0] =	vst v63;
	v5 =	vld.idx.msk [tilespmem:v13+s4+$0x0], $0xffff  }
0x7e: {  	[tilespmem:s8+$0xFFFFFFF0] =	vst v4;
	v4 =	vld.idx.msk [tilespmem:v14+s5+$0x0], $0xffff  }
0x7f: {  	[tilespmem:s8+$0x0] =	vst v6;
	v6 =	vld.idx.msk [tilespmem:v15+s4+$0x0], $0xffff  }
.LBB2_3:
0x80: {  	s6 =	sadd.s32 $0x40, s6;
	v1 =	vld.idx.msk [tilespmem:v1+s5+$0x0], $0xffff  }
0x81: {  	v3 =	vadd.f32 v3, v7;
	s9 =	sand.u32 $0x3C0, s6;
	p0 =	slt.u32 s6, $0x3C0;
	v0 =	vld.idx.msk [tilespmem:v0+s4+$0x0], $0xffff  }
0x82: {  	s7 =	sadd.s32 $0x40, s7;
	s8 =	sadd.s32 $0x40, s8;
	v7 =	vld [tilespmem:s9+$0x580]  }
0x83: {  	v2 =	vadd.f32 v5, v2;
	v8 =	vld [tilespmem:s7+$0xFFFFFBD0];
	[tilespmem:s8+$0xFFFFFFD0] =	vst v3  }
0x84: {  	v5 =	vld [tilespmem:s7+$0xFFFFFBE0]  }
0x85: {  	v9 =	vld [tilespmem:s7+$0xFFFFFFE0];
	[tilespmem:s8+$0xFFFFFFE0] =	vst v2;
	v2 =	vadd.f32 v6, v4  }
0x86: {  	v4 =	vld [tilespmem:s7+$0xFFFFFBF0]  }
0x87: {  	v6 =	vld [tilespmem:s7+$0xFFFFFFF0];
	[tilespmem:s8+$0xFFFFFFF0] =	vst v2;
	v2 =	vadd.f32 v0, v1  }
0x88: {  	v1 =	vld [tilespmem:s7+$0xFFFFFC00]  }
0x89: {  	v0 =	vld [tilespmem:s7+$0x0];
	[tilespmem:s8+$0x0] =	vst v2  }
0x8a: {  	v3 =	vld.idx.msk [tilespmem:v7+s4+$0x0], $0xffff  }
.Ltmp1:
0x8b: {  	v7 =	vld.idx.msk [tilespmem:v8+s5+$0x0], $0xffff;
	(pc) =	sbr.rel @p0 .LBB2_3-.Ltmp1, $4  }
0x8c: {  	v2 =	vld.idx.msk [tilespmem:v5+s5+$0x0], $0xffff  }
0x8d: {  	v5 =	vld.idx.msk [tilespmem:v9+s4+$0x0], $0xffff  }
0x8e: {  	v4 =	vld.idx.msk [tilespmem:v4+s5+$0x0], $0xffff  }
0x8f: {  	v6 =	vld.idx.msk [tilespmem:v6+s4+$0x0], $0xffff  }
0x90: {  	_ =	sdelay $0x3  }
0x91: {  	v1 =	vld.idx.msk [tilespmem:v1+s5+$0x0], $0xffff  }
0x92: {  	v0 =	vld.idx.msk [tilespmem:v0+s4+$0x0], $0xffff;
	_ =	sdelay $0x1  }
0x93: {  	v3 =	vadd.f32 v3, v7  }
0x94: {  	s26 =	sadd.s32 $0x40, s8;
	v2 =	vadd.f32 v5, v2  }
0x95: {  	[tilespmem:s26+$0xFFFFFFD0] =	vst v3;
	v63 =	vadd.f32 v6, v4  }
0x96: {  	[tilespmem:s26+$0xFFFFFFE0] =	vst v2;
	v0 =	vadd.f32 v0, v1  }
0x97: {  	[tilespmem:s26+$0xFFFFFFF0] =	vst v63  }
0x98: {  	s28 =	simm.s32 $0x1;
	[tilespmem:s26+$0x0] =	vst v0  }
0x99: {  	s2 =	sadd.s32 s3, s2;
	_ =	swait.ge [sflag:s28], $0x200  }
0x9a: {  	s29 =	simm.s32 $0x0;
	s30 =	simm.s32 $0xB80;
	[sflag:s28] =	ssyncset.done $0x0  }
0x9b: {  	s31 =	simm.s32 $0x3;
	s2 =	sadd.s32 $0x40, s2;
	[sflag:s28] =	ssyncadd.s32 $0xFFFFFE00  }
0x9c: {  	[hbm4b:s2+s29] =	stream.linear.scatter [tilespmem:s30], [sflag:$0x3], $0x200, $0x38;
	[tilespmem:$0xD80] =	vst v63  }
0x9d: {  	_ =	swait.ge [sflag:s31], $0x200  }
0x9e: {  	[sflag:s31] =	ssyncset.done $0x0  }
0x9f: {  	[sflag:s31] =	ssyncadd.s32 $0xFFFFFE00  }
0xa0: {  	_ =	sfence.sel $0x180000  }
0xa1: {  	[bflag:$0x0] =	sbarrier.arrive $0xFFFF  }
0xa2: {  	p0 =	sne.s32 s1, $0x0;
	_ =	strace $0x90000047  }
0xa3: {  	s0 =	sadd.s32 @!p0 $0x100000, s0;
	[bflag:$0x2] =	sbarrier.arrive $0xFFFF  }
0xa4: {  	[sflag:s0] =	ssyncadd.tile.s32 @!p0 $0x1;
	_ =	shalt  }
.Lfunc_end2:
_tile_overlayer_lowered:
.L_overlay_start_2:
0xa5: {  	(tag) =	ssettag $0x2  }
0xa6: {  	s0 =	rddreg [dreg:$0x0];
	s2 =	stileid.u32  }
0xa7: {  	s1 =	rddreg [dreg:$0x1];
	p0 =	sne.s32 s2, $0x0  }
0xa8: {  	s3 =	rddreg [dreg:$0x2];
	[bflag:$0x3] =	sbarrier.arrive $0xFFFF;
	s2 =	simm.s32 @!p0 $0x1C03  }
0xa9: {  	[timem:s3], [sflag:s2] =	dma.local @!p0 [hbm:s0], s1  }
0xaa: {  	s0 =	simm.s32 @!p0 $0x3  }
0xab: {  	_ =	swait.ge @!p0 [sflag:s0], s1  }
0xac: {  	s1 =	ssub.s32 @!p0 $0x0, s1;
	[sflag:s0] =	ssyncset.done @!p0 $0x0  }
0xad: {  	[sflag:s0] =	ssyncadd.s32 @!p0 s1  }
0xae: {  	[bflag:$0x3] =	sbarrier.arrive $0xFFFF  }
0xaf: {  	_ =	shalt  }

</sc_bundles>
